<compile_context>
chip_gen: v7x
topology: tpu7x:2x2x1
jax: 0.10.2.dev20260603
libtpu: 0.0.44.dev20260713+nightly
codegen_flags: <defaults>
</compile_context>

<pallas_src>
import functools

import jax
import jax.numpy as jnp
import numpy as np
from jax import lax
from jax.experimental import pallas as pl
from jax.experimental.pallas import tpu as pltpu
from jax.experimental.pallas import tpu_sc as plsc

_EPS = 1e-08
_NUM_CORES = 2
_NUM_SUBCORES = 16
_NW = _NUM_CORES * _NUM_SUBCORES
_W = 8


def _rsqrt(s):
    i = lax.bitcast_convert_type(s, jnp.int32)
    i = jnp.int32(0x5F3759DF) - lax.shift_right_logical(i, 1)
    y = lax.bitcast_convert_type(i, jnp.float32)
    for _ in range(2):
        y = y * (jnp.float32(1.5) - jnp.float32(0.5) * s * y * y)
    return y


@functools.cache
def _build_kernel(nb_pad):
    chunk = nb_pad // _NW
    groups = chunk // 16

    mesh = plsc.VectorSubcoreMesh(
        core_axis_name="c",
        subcore_axis_name="s",
        num_cores=_NUM_CORES,
        num_subcores=_NUM_SUBCORES,
    )

    @functools.partial(
        pl.kernel,
        out_type=jax.ShapeDtypeStruct((_NW, 16), jnp.float32),
        mesh=mesh,
        compiler_params=pltpu.CompilerParams(
            needs_layout_passes=False, use_tc_tiling_on_sc=False),
        scratch_types=[
            pltpu.VMEM((chunk,), jnp.int32),
            pltpu.VMEM((chunk,), jnp.int32),
            pltpu.VMEM((chunk, _W), jnp.float32),
            pltpu.VMEM((chunk, _W), jnp.float32),
            pltpu.VMEM((16,), jnp.float32),
            pltpu.SemaphoreType.DMA,
        ],
    )
    def bond_loss(tab_hbm, bt_hbm, out_hbm,
                  idx_s, idx_e, rows_s, rows_e, acc_v, sem):
        wid = lax.axis_index("s") * _NUM_CORES + lax.axis_index("c")
        base = wid * chunk
        pltpu.sync_copy(bt_hbm.at[0, pl.ds(base, chunk)], idx_s)
        pltpu.sync_copy(bt_hbm.at[1, pl.ds(base, chunk)], idx_e)
        cp_s = pltpu.async_copy(tab_hbm.at[idx_s], rows_s, sem)
        cp_e = pltpu.async_copy(tab_hbm.at[idx_e], rows_e, sem)
        cp_s.wait()
        cp_e.wait()

        lanes = jax.lax.iota(jnp.int32, 16)

        def body(g, acc):
            r = g * 16 + lanes

            def col(rows, c):
                return plsc.load_gather(
                    rows, [r, jnp.full((16,), c, jnp.int32)])

            dx = col(rows_s, 0) - col(rows_e, 0)
            dy = col(rows_s, 1) - col(rows_e, 1)
            dz = col(rows_s, 2) - col(rows_e, 2)
            gx = col(rows_s, 4) - col(rows_e, 4)
            gy = col(rows_s, 5) - col(rows_e, 5)
            gz = col(rows_s, 6) - col(rows_e, 6)
            sp = dx * dx + dy * dy + dz * dz + jnp.float32(_EPS)
            sg = gx * gx + gy * gy + gz * gz + jnp.float32(_EPS)
            d = sp * _rsqrt(sp) - sg * _rsqrt(sg)
            return acc + d * d

        acc = lax.fori_loop(0, groups, body, jnp.zeros((16,), jnp.float32))
        acc_v[...] = acc
        pltpu.sync_copy(acc_v, out_hbm.at[wid])

    return bond_loss


@functools.cache
def _pack_weights():
    wp = np.zeros((128, 48), np.float32)
    wg = np.zeros((128, 48), np.float32)
    for m in range(16):
        for c in range(3):
            wp[8 * m + c, c * 16 + m] = 1.0
            wg[8 * m + 4 + c, c * 16 + m] = 1.0
    return jnp.asarray(wp), jnp.asarray(wg)


@jax.jit
def kernel(x_pred, x_gt, bonds):
    n_atoms = x_pred.shape[0]
    nb = bonds.shape[0]
    q = 1 << max(3, (n_atoms // 16 - 1).bit_length())
    n_pad = 16 * q
    nb_pad = ((nb + _NW * 8 - 1) // (_NW * 8)) * (_NW * 8)
    pad = nb_pad - nb

    wp, wg = _pack_weights()
    sh = q.bit_length() - 1
    xpt = jnp.pad(x_pred.astype(jnp.float32).T,
                  ((0, 0), (0, n_pad - n_atoms))).reshape(48, q)
    xgt = jnp.pad(x_gt.astype(jnp.float32).T,
                  ((0, 0), (0, n_pad - n_atoms))).reshape(48, q)
    hi = jax.lax.Precision.HIGHEST
    tab_t = (jnp.dot(wp, xpt, precision=hi)
             + jnp.dot(wg, xgt, precision=hi))
    tab = tab_t.T.reshape(n_pad, _W)

    b32 = jnp.pad(bonds.astype(jnp.int32).T, ((0, 0), (0, pad)))
    bt = ((b32 & (q - 1)) << 4) | (b32 >> sh)

    parts = _build_kernel(nb_pad)(tab, bt)
    return jnp.sum(parts) / jnp.float32(nb)

# --- scband reference (transcript-rebuilt; emitter-appended) ---
"""Pipeline reference for scband-bond-length-loss-72318659330502 (READ-ONLY COPY).

The authoritative reference and input builder live on the scoring server;
editing this copy changes nothing except your own understanding.
"""

import jax, jax.numpy as jnp
import numpy as np

EPS = 1e-08
N_ATOMS = 100000
N_BONDS = 200000

def setup_inputs(seed: int = 0) -> dict:
    key = jax.random.key(seed)
    k1, k2, k3 = jax.random.split(key, 3)
    x_pred = jax.random.normal(k1, (N_ATOMS, 3), dtype=jnp.float32)
    x_gt = jax.random.normal(k2, (N_ATOMS, 3), dtype=jnp.float32)
    bonds = jax.random.randint(k3, (N_BONDS, 2), 0, N_ATOMS, dtype=jnp.int64 if jax.config.jax_enable_x64 else jnp.int32)
    return {"x_pred": x_pred, "x_gt": x_gt, "bonds": bonds}

def reference(x_pred, x_gt, bonds):
    start_indices = bonds[:, 0]
    end_indices = bonds[:, 1]
    x_pred_start = jnp.take(x_pred, start_indices, axis=0)
    x_pred_end = jnp.take(x_pred, end_indices, axis=0)
    x_gt_start = jnp.take(x_gt, start_indices, axis=0)
    x_gt_end = jnp.take(x_gt, end_indices, axis=0)
    pred_bond_lengths = jnp.sqrt(((x_pred_start - x_pred_end) ** 2).sum(axis=-1) + EPS)
    gt_bond_lengths = jnp.sqrt(((x_gt_start - x_gt_end) ** 2).sum(axis=-1) + EPS)
    bond_length_errors = (pred_bond_lengths - gt_bond_lengths) ** 2
    loss = bond_length_errors.mean()
    return loss

if __name__ == "__main__":
    import jax
    _d = setup_inputs()
    print(jax.jit(kernel)(*tuple(_d.values())))

</pallas_src>

<mosaic_0001>
#map = affine_map<(d0, d1) -> (0, 0)>
module attributes {stable_mosaic.version = 14 : i64} {
  func.func @bond_loss(%arg0: i32, %arg1: i32, %arg2: memref<131072x8xf32, #tpu.memory_space<hbm>>, %arg3: memref<2x200192xi32, #tpu.memory_space<hbm>>, %arg4: memref<32x16xf32, #tpu.memory_space<hbm>>, %arg5: memref<6256xi32, #tpu.memory_space<vmem>>, %arg6: memref<6256xi32, #tpu.memory_space<vmem>>, %arg7: memref<6256x8xf32, #tpu.memory_space<vmem>>, %arg8: memref<6256x8xf32, #tpu.memory_space<vmem>>, %arg9: memref<16xf32, #tpu.memory_space<vmem>>, %arg10: memref<!tpu.dma_semaphore, #tpu.memory_space<semaphore_mem>>) attributes {dimension_semantics = [#tpu.dimension_semantics<core_parallel>, #tpu.dimension_semantics<subcore_parallel>], iteration_bounds = array<i64: 2, 16>, scalar_prefetch = 0 : i64, scratch_operands = 6 : i64, tpu.core_type = #tpu.core_type<sc_vector_subcore>, window_params = [{transform_indices = #map}, {transform_indices = #map}, {transform_indices = #map}]} {
    %mul3A = arith.constant 2 : i32
    %mul3A_0 = arith.muli %arg1, %mul3A : i32
    %add3A = arith.addi %mul3A_0, %arg0 : i32
    %mul3A_1 = arith.constant 6256 : i32
    %mul3A_2 = arith.muli %add3A, %mul3A_1 : i32
    %run_scoped3A = arith.constant 0 : i32
    "tpu.region"() ({
      %run_scoped3A_21 = tpu.sem_alloc : memref<!tpu.dma_semaphore, #tpu.memory_space<semaphore_mem>>
      %dma_start3A_22 = tpu.memref_slice %arg3[%run_scoped3A, %mul3A_2] : memref<2x200192xi32, #tpu.memory_space<hbm>> -> memref<1x6256xi32, #tpu.memory_space<hbm>>
      %dma_start3A_23 = tpu.memref_squeeze %dma_start3A_22 : memref<1x6256xi32, #tpu.memory_space<hbm>> -> memref<6256xi32, #tpu.memory_space<hbm>>
      %dma_start3A_24 = tpu.memref_slice %arg3[%run_scoped3A, %mul3A_2] : memref<2x200192xi32, #tpu.memory_space<hbm>> -> memref<1x6256xi32, #tpu.memory_space<hbm>>
      %dma_start3A_25 = tpu.memref_squeeze %dma_start3A_24 : memref<1x6256xi32, #tpu.memory_space<hbm>> -> memref<6256xi32, #tpu.memory_space<hbm>>
      tpu.enqueue_dma source(%dma_start3A_25 : memref<6256xi32, #tpu.memory_space<hbm>>) target(%arg5 : memref<6256xi32, #tpu.memory_space<vmem>>) target_semaphore(%run_scoped3A_21 : memref<!tpu.dma_semaphore, #tpu.memory_space<semaphore_mem>>)
      %dma_wait3A_26 = tpu.memref_slice %arg3[%run_scoped3A, %mul3A_2] : memref<2x200192xi32, #tpu.memory_space<hbm>> -> memref<1x6256xi32, #tpu.memory_space<hbm>>
      %dma_wait3A_27 = tpu.memref_squeeze %dma_wait3A_26 : memref<1x6256xi32, #tpu.memory_space<hbm>> -> memref<6256xi32, #tpu.memory_space<hbm>>
      %dma_wait3A_28 = tpu.memref_slice %arg3[%run_scoped3A, %mul3A_2] : memref<2x200192xi32, #tpu.memory_space<hbm>> -> memref<1x6256xi32, #tpu.memory_space<hbm>>
      %dma_wait3A_29 = tpu.memref_squeeze %dma_wait3A_28 : memref<1x6256xi32, #tpu.memory_space<hbm>> -> memref<6256xi32, #tpu.memory_space<hbm>>
      tpu.wait_dma2 semaphore(%run_scoped3A_21 : memref<!tpu.dma_semaphore, #tpu.memory_space<semaphore_mem>>) src(%dma_wait3A_29 : memref<6256xi32, #tpu.memory_space<hbm>>) dst(%arg5 : memref<6256xi32, #tpu.memory_space<vmem>>)
      tpu.yield
    }) : () -> ()
    %run_scoped3A_3 = arith.constant 1 : i32
    "tpu.region"() ({
      %run_scoped3A_21 = tpu.sem_alloc : memref<!tpu.dma_semaphore, #tpu.memory_space<semaphore_mem>>
      %dma_start3A_22 = tpu.memref_slice %arg3[%run_scoped3A_3, %mul3A_2] : memref<2x200192xi32, #tpu.memory_space<hbm>> -> memref<1x6256xi32, #tpu.memory_space<hbm>>
      %dma_start3A_23 = tpu.memref_squeeze %dma_start3A_22 : memref<1x6256xi32, #tpu.memory_space<hbm>> -> memref<6256xi32, #tpu.memory_space<hbm>>
      %dma_start3A_24 = tpu.memref_slice %arg3[%run_scoped3A_3, %mul3A_2] : memref<2x200192xi32, #tpu.memory_space<hbm>> -> memref<1x6256xi32, #tpu.memory_space<hbm>>
      %dma_start3A_25 = tpu.memref_squeeze %dma_start3A_24 : memref<1x6256xi32, #tpu.memory_space<hbm>> -> memref<6256xi32, #tpu.memory_space<hbm>>
      tpu.enqueue_dma source(%dma_start3A_25 : memref<6256xi32, #tpu.memory_space<hbm>>) target(%arg6 : memref<6256xi32, #tpu.memory_space<vmem>>) target_semaphore(%run_scoped3A_21 : memref<!tpu.dma_semaphore, #tpu.memory_space<semaphore_mem>>)
      %dma_wait3A_26 = tpu.memref_slice %arg3[%run_scoped3A_3, %mul3A_2] : memref<2x200192xi32, #tpu.memory_space<hbm>> -> memref<1x6256xi32, #tpu.memory_space<hbm>>
      %dma_wait3A_27 = tpu.memref_squeeze %dma_wait3A_26 : memref<1x6256xi32, #tpu.memory_space<hbm>> -> memref<6256xi32, #tpu.memory_space<hbm>>
      %dma_wait3A_28 = tpu.memref_slice %arg3[%run_scoped3A_3, %mul3A_2] : memref<2x200192xi32, #tpu.memory_space<hbm>> -> memref<1x6256xi32, #tpu.memory_space<hbm>>
      %dma_wait3A_29 = tpu.memref_squeeze %dma_wait3A_28 : memref<1x6256xi32, #tpu.memory_space<hbm>> -> memref<6256xi32, #tpu.memory_space<hbm>>
      tpu.wait_dma2 semaphore(%run_scoped3A_21 : memref<!tpu.dma_semaphore, #tpu.memory_space<semaphore_mem>>) src(%dma_wait3A_29 : memref<6256xi32, #tpu.memory_space<hbm>>) dst(%arg6 : memref<6256xi32, #tpu.memory_space<vmem>>)
      tpu.yield
    }) : () -> ()
    %dma_start3A = arith.constant 0 : i32
    %dma_start3A_4 = arith.constant 0 : i32
    %dma_start3A_5 = tpu.memref_slice %arg2[%dma_start3A, %dma_start3A_4] : memref<131072x8xf32, #tpu.memory_space<hbm>> -> memref<131072x8xf32, #tpu.memory_space<hbm>>
    tpu.enqueue_indirect_dma source(%dma_start3A_5 : memref<131072x8xf32, #tpu.memory_space<hbm>>) target(%arg7 : memref<6256x8xf32, #tpu.memory_space<vmem>>) offsets(%arg5 : memref<6256xi32, #tpu.memory_space<vmem>>) semaphore(%arg10 : memref<!tpu.dma_semaphore, #tpu.memory_space<semaphore_mem>>)
    %dma_start3A_6 = arith.constant 0 : i32
    %dma_start3A_7 = arith.constant 0 : i32
    %dma_start3A_8 = tpu.memref_slice %arg2[%dma_start3A_6, %dma_start3A_7] : memref<131072x8xf32, #tpu.memory_space<hbm>> -> memref<131072x8xf32, #tpu.memory_space<hbm>>
    tpu.enqueue_indirect_dma source(%dma_start3A_8 : memref<131072x8xf32, #tpu.memory_space<hbm>>) target(%arg8 : memref<6256x8xf32, #tpu.memory_space<vmem>>) offsets(%arg6 : memref<6256xi32, #tpu.memory_space<vmem>>) semaphore(%arg10 : memref<!tpu.dma_semaphore, #tpu.memory_space<semaphore_mem>>)
    %dma_wait3A = arith.constant 0 : i32
    %dma_wait3A_9 = arith.constant 0 : i32
    %dma_wait3A_10 = tpu.memref_slice %arg2[%dma_wait3A, %dma_wait3A_9] : memref<131072x8xf32, #tpu.memory_space<hbm>> -> memref<131072x8xf32, #tpu.memory_space<hbm>>
    tpu.wait_indirect_dma semaphore(%arg10 : memref<!tpu.dma_semaphore, #tpu.memory_space<semaphore_mem>>) src(%dma_wait3A_10 : memref<131072x8xf32, #tpu.memory_space<hbm>>) dst(%arg7 : memref<6256x8xf32, #tpu.memory_space<vmem>>)
    %dma_wait3A_11 = arith.constant 0 : i32
    %dma_wait3A_12 = arith.constant 0 : i32
    %dma_wait3A_13 = tpu.memref_slice %arg2[%dma_wait3A_11, %dma_wait3A_12] : memref<131072x8xf32, #tpu.memory_space<hbm>> -> memref<131072x8xf32, #tpu.memory_space<hbm>>
    tpu.wait_indirect_dma semaphore(%arg10 : memref<!tpu.dma_semaphore, #tpu.memory_space<semaphore_mem>>) src(%dma_wait3A_13 : memref<131072x8xf32, #tpu.memory_space<hbm>>) dst(%arg8 : memref<6256x8xf32, #tpu.memory_space<vmem>>)
    %iota3A = tpu.iota {dimensions = array<i32: 0>} : vector<16xi32>
    %broadcast_in_dim3A = arith.constant 0.000000e+00 : f32
    %broadcast_in_dim3A_14 = vector.broadcast %broadcast_in_dim3A : f32 to vector<16xf32>
    %scan3A = arith.constant 0 : i32
    %scan3A_15 = arith.constant 391 : i32
    %scan3A_16 = arith.addi %scan3A, %scan3A_15 : i32
    %scan3A_17 = arith.constant 1 : i32
    %scan3A_18 = scf.for %scan3A_21 = %scan3A to %scan3A_16 step %scan3A_17 iter_args(%scan3A_22 = %broadcast_in_dim3A_14) -> (vector<16xf32>)  : i32 {
      %mul3A_23 = arith.constant 16 : i32
      %mul3A_24 = arith.muli %scan3A_21, %mul3A_23 : i32
      %add3A_25 = vector.broadcast %mul3A_24 : i32 to vector<16xi32>
      %add3A_26 = arith.addi %add3A_25, %iota3A : vector<16xi32>
      %broadcast_in_dim3A_27 = arith.constant 0 : i32
      %broadcast_in_dim3A_28 = vector.broadcast %broadcast_in_dim3A_27 : i32 to vector<16xi32>
      %gather3A = tpu.vector_load_idx %arg7[%add3A_26, %broadcast_in_dim3A_28] : memref<6256x8xf32, #tpu.memory_space<vmem>>[vector<16xi32>, vector<16xi32>], vector<16xf32>,
      %broadcast_in_dim3A_29 = arith.constant 0 : i32
      %broadcast_in_dim3A_30 = vector.broadcast %broadcast_in_dim3A_29 : i32 to vector<16xi32>
      %gather3A_31 = tpu.vector_load_idx %arg8[%add3A_26, %broadcast_in_dim3A_30] : memref<6256x8xf32, #tpu.memory_space<vmem>>[vector<16xi32>, vector<16xi32>], vector<16xf32>,
      %sub3A = arith.subf %gather3A, %gather3A_31 : vector<16xf32>
      %broadcast_in_dim3A_32 = arith.constant 1 : i32
      %broadcast_in_dim3A_33 = vector.broadcast %broadcast_in_dim3A_32 : i32 to vector<16xi32>
      %gather3A_34 = tpu.vector_load_idx %arg7[%add3A_26, %broadcast_in_dim3A_33] : memref<6256x8xf32, #tpu.memory_space<vmem>>[vector<16xi32>, vector<16xi32>], vector<16xf32>,
      %broadcast_in_dim3A_35 = arith.constant 1 : i32
      %broadcast_in_dim3A_36 = vector.broadcast %broadcast_in_dim3A_35 : i32 to vector<16xi32>
      %gather3A_37 = tpu.vector_load_idx %arg8[%add3A_26, %broadcast_in_dim3A_36] : memref<6256x8xf32, #tpu.memory_space<vmem>>[vector<16xi32>, vector<16xi32>], vector<16xf32>,
      %sub3A_38 = arith.subf %gather3A_34, %gather3A_37 : vector<16xf32>
      %broadcast_in_dim3A_39 = arith.constant 2 : i32
      %broadcast_in_dim3A_40 = vector.broadcast %broadcast_in_dim3A_39 : i32 to vector<16xi32>
      %gather3A_41 = tpu.vector_load_idx %arg7[%add3A_26, %broadcast_in_dim3A_40] : memref<6256x8xf32, #tpu.memory_space<vmem>>[vector<16xi32>, vector<16xi32>], vector<16xf32>,
      %broadcast_in_dim3A_42 = arith.constant 2 : i32
      %broadcast_in_dim3A_43 = vector.broadcast %broadcast_in_dim3A_42 : i32 to vector<16xi32>
      %gather3A_44 = tpu.vector_load_idx %arg8[%add3A_26, %broadcast_in_dim3A_43] : memref<6256x8xf32, #tpu.memory_space<vmem>>[vector<16xi32>, vector<16xi32>], vector<16xf32>,
      %sub3A_45 = arith.subf %gather3A_41, %gather3A_44 : vector<16xf32>
      %broadcast_in_dim3A_46 = arith.constant 4 : i32
      %broadcast_in_dim3A_47 = vector.broadcast %broadcast_in_dim3A_46 : i32 to vector<16xi32>
      %gather3A_48 = tpu.vector_load_idx %arg7[%add3A_26, %broadcast_in_dim3A_47] : memref<6256x8xf32, #tpu.memory_space<vmem>>[vector<16xi32>, vector<16xi32>], vector<16xf32>,
      %broadcast_in_dim3A_49 = arith.constant 4 : i32
      %broadcast_in_dim3A_50 = vector.broadcast %broadcast_in_dim3A_49 : i32 to vector<16xi32>
      %gather3A_51 = tpu.vector_load_idx %arg8[%add3A_26, %broadcast_in_dim3A_50] : memref<6256x8xf32, #tpu.memory_space<vmem>>[vector<16xi32>, vector<16xi32>], vector<16xf32>,
      %sub3A_52 = arith.subf %gather3A_48, %gather3A_51 : vector<16xf32>
      %broadcast_in_dim3A_53 = arith.constant 5 : i32
      %broadcast_in_dim3A_54 = vector.broadcast %broadcast_in_dim3A_53 : i32 to vector<16xi32>
      %gather3A_55 = tpu.vector_load_idx %arg7[%add3A_26, %broadcast_in_dim3A_54] : memref<6256x8xf32, #tpu.memory_space<vmem>>[vector<16xi32>, vector<16xi32>], vector<16xf32>,
      %broadcast_in_dim3A_56 = arith.constant 5 : i32
      %broadcast_in_dim3A_57 = vector.broadcast %broadcast_in_dim3A_56 : i32 to vector<16xi32>
      %gather3A_58 = tpu.vector_load_idx %arg8[%add3A_26, %broadcast_in_dim3A_57] : memref<6256x8xf32, #tpu.memory_space<vmem>>[vector<16xi32>, vector<16xi32>], vector<16xf32>,
      %sub3A_59 = arith.subf %gather3A_55, %gather3A_58 : vector<16xf32>
      %broadcast_in_dim3A_60 = arith.constant 6 : i32
      %broadcast_in_dim3A_61 = vector.broadcast %broadcast_in_dim3A_60 : i32 to vector<16xi32>
      %gather3A_62 = tpu.vector_load_idx %arg7[%add3A_26, %broadcast_in_dim3A_61] : memref<6256x8xf32, #tpu.memory_space<vmem>>[vector<16xi32>, vector<16xi32>], vector<16xf32>,
      %broadcast_in_dim3A_63 = arith.constant 6 : i32
      %broadcast_in_dim3A_64 = vector.broadcast %broadcast_in_dim3A_63 : i32 to vector<16xi32>
      %gather3A_65 = tpu.vector_load_idx %arg8[%add3A_26, %broadcast_in_dim3A_64] : memref<6256x8xf32, #tpu.memory_space<vmem>>[vector<16xi32>, vector<16xi32>], vector<16xf32>,
      %sub3A_66 = arith.subf %gather3A_62, %gather3A_65 : vector<16xf32>
      %mul3A_67 = arith.mulf %sub3A, %sub3A : vector<16xf32>
      %mul3A_68 = arith.mulf %sub3A_38, %sub3A_38 : vector<16xf32>
      %add3A_69 = arith.addf %mul3A_67, %mul3A_68 : vector<16xf32>
      %mul3A_70 = arith.mulf %sub3A_45, %sub3A_45 : vector<16xf32>
      %add3A_71 = arith.addf %add3A_69, %mul3A_70 : vector<16xf32>
      %add3A_72 = arith.constant 9.99999993E-9 : f32
      %add3A_73 = vector.broadcast %add3A_72 : f32 to vector<16xf32>
      %add3A_74 = arith.addf %add3A_71, %add3A_73 : vector<16xf32>
      %mul3A_75 = arith.mulf %sub3A_52, %sub3A_52 : vector<16xf32>
      %mul3A_76 = arith.mulf %sub3A_59, %sub3A_59 : vector<16xf32>
      %add3A_77 = arith.addf %mul3A_75, %mul3A_76 : vector<16xf32>
      %mul3A_78 = arith.mulf %sub3A_66, %sub3A_66 : vector<16xf32>
      %add3A_79 = arith.addf %add3A_77, %mul3A_78 : vector<16xf32>
      %add3A_80 = arith.constant 9.99999993E-9 : f32
      %add3A_81 = vector.broadcast %add3A_80 : f32 to vector<16xf32>
      %add3A_82 = arith.addf %add3A_79, %add3A_81 : vector<16xf32>
      %bitcast_convert_type3A = tpu.bitcast %add3A_74 : vector<16xf32> -> vector<16xi32>
      %shift_right_logical3A = arith.constant 1 : i32
      %shift_right_logical3A_83 = vector.broadcast %shift_right_logical3A : i32 to vector<16xi32>
      %shift_right_logical3A_84 = arith.shrui %bitcast_convert_type3A, %shift_right_logical3A_83 : vector<16xi32>
      %sub3A_85 = arith.constant 1597463007 : i32
      %sub3A_86 = vector.broadcast %sub3A_85 : i32 to vector<16xi32>
      %sub3A_87 = arith.subi %sub3A_86, %shift_right_logical3A_84 : vector<16xi32>
      %bitcast_convert_type3A_88 = tpu.bitcast %sub3A_87 : vector<16xi32> -> vector<16xf32>
      %mul3A_89 = arith.constant 5.000000e-01 : f32
      %mul3A_90 = vector.broadcast %mul3A_89 : f32 to vector<16xf32>
      %mul3A_91 = arith.mulf %mul3A_90, %add3A_74 : vector<16xf32>
      %mul3A_92 = arith.mulf %mul3A_91, %bitcast_convert_type3A_88 : vector<16xf32>
      %mul3A_93 = arith.mulf %mul3A_92, %bitcast_convert_type3A_88 : vector<16xf32>
      %sub3A_94 = arith.constant 1.500000e+00 : f32
      %sub3A_95 = vector.broadcast %sub3A_94 : f32 to vector<16xf32>
      %sub3A_96 = arith.subf %sub3A_95, %mul3A_93 : vector<16xf32>
      %mul3A_97 = arith.mulf %bitcast_convert_type3A_88, %sub3A_96 : vector<16xf32>
      %mul3A_98 = arith.constant 5.000000e-01 : f32
      %mul3A_99 = vector.broadcast %mul3A_98 : f32 to vector<16xf32>
      %mul3A_100 = arith.mulf %mul3A_99, %add3A_74 : vector<16xf32>
      %mul3A_101 = arith.mulf %mul3A_100, %mul3A_97 : vector<16xf32>
      %mul3A_102 = arith.mulf %mul3A_101, %mul3A_97 : vector<16xf32>
      %sub3A_103 = arith.constant 1.500000e+00 : f32
      %sub3A_104 = vector.broadcast %sub3A_103 : f32 to vector<16xf32>
      %sub3A_105 = arith.subf %sub3A_104, %mul3A_102 : vector<16xf32>
      %mul3A_106 = arith.mulf %mul3A_97, %sub3A_105 : vector<16xf32>
      %mul3A_107 = arith.mulf %add3A_74, %mul3A_106 : vector<16xf32>
      %bitcast_convert_type3A_108 = tpu.bitcast %add3A_82 : vector<16xf32> -> vector<16xi32>
      %shift_right_logical3A_109 = arith.constant 1 : i32
      %shift_right_logical3A_110 = vector.broadcast %shift_right_logical3A_109 : i32 to vector<16xi32>
      %shift_right_logical3A_111 = arith.shrui %bitcast_convert_type3A_108, %shift_right_logical3A_110 : vector<16xi32>
      %sub3A_112 = arith.constant 1597463007 : i32
      %sub3A_113 = vector.broadcast %sub3A_112 : i32 to vector<16xi32>
      %sub3A_114 = arith.subi %sub3A_113, %shift_right_logical3A_111 : vector<16xi32>
      %bitcast_convert_type3A_115 = tpu.bitcast %sub3A_114 : vector<16xi32> -> vector<16xf32>
      %mul3A_116 = arith.constant 5.000000e-01 : f32
      %mul3A_117 = vector.broadcast %mul3A_116 : f32 to vector<16xf32>
      %mul3A_118 = arith.mulf %mul3A_117, %add3A_82 : vector<16xf32>
      %mul3A_119 = arith.mulf %mul3A_118, %bitcast_convert_type3A_115 : vector<16xf32>
      %mul3A_120 = arith.mulf %mul3A_119, %bitcast_convert_type3A_115 : vector<16xf32>
      %sub3A_121 = arith.constant 1.500000e+00 : f32
      %sub3A_122 = vector.broadcast %sub3A_121 : f32 to vector<16xf32>
      %sub3A_123 = arith.subf %sub3A_122, %mul3A_120 : vector<16xf32>
      %mul3A_124 = arith.mulf %bitcast_convert_type3A_115, %sub3A_123 : vector<16xf32>
      %mul3A_125 = arith.constant 5.000000e-01 : f32
      %mul3A_126 = vector.broadcast %mul3A_125 : f32 to vector<16xf32>
      %mul3A_127 = arith.mulf %mul3A_126, %add3A_82 : vector<16xf32>
      %mul3A_128 = arith.mulf %mul3A_127, %mul3A_124 : vector<16xf32>
      %mul3A_129 = arith.mulf %mul3A_128, %mul3A_124 : vector<16xf32>
      %sub3A_130 = arith.constant 1.500000e+00 : f32
      %sub3A_131 = vector.broadcast %sub3A_130 : f32 to vector<16xf32>
      %sub3A_132 = arith.subf %sub3A_131, %mul3A_129 : vector<16xf32>
      %mul3A_133 = arith.mulf %mul3A_124, %sub3A_132 : vector<16xf32>
      %mul3A_134 = arith.mulf %add3A_82, %mul3A_133 : vector<16xf32>
      %sub3A_135 = arith.subf %mul3A_107, %mul3A_134 : vector<16xf32>
      %mul3A_136 = arith.mulf %sub3A_135, %sub3A_135 : vector<16xf32>
      %add3A_137 = arith.addf %scan3A_22, %mul3A_136 : vector<16xf32>
      scf.yield %add3A_137 : vector<16xf32>
    }
    %scan3A_19 = arith.constant 391 : i32
    %swap3A = arith.constant 0 : index
    %swap3A_20 = tpu.vector_load %arg9[%swap3A] {strides = array<i32>} : memref<16xf32, #tpu.memory_space<vmem>>, vector<16xf32>,
    tpu.vector_store %arg9[%swap3A], %scan3A_18 {strides = array<i32>} : memref<16xf32, #tpu.memory_space<vmem>>, vector<16xf32>,
    "tpu.region"() ({
      %run_scoped3A_21 = tpu.sem_alloc : memref<!tpu.dma_semaphore, #tpu.memory_space<semaphore_mem>>
      %dma_start3A_22 = arith.constant 0 : i32
      %dma_start3A_23 = tpu.memref_slice %arg4[%add3A, %dma_start3A_22] : memref<32x16xf32, #tpu.memory_space<hbm>> -> memref<1x16xf32, #tpu.memory_space<hbm>>
      %dma_start3A_24 = tpu.memref_squeeze %dma_start3A_23 : memref<1x16xf32, #tpu.memory_space<hbm>> -> memref<16xf32, #tpu.memory_space<hbm>>
      %dma_start3A_25 = arith.constant 0 : i32
      %dma_start3A_26 = tpu.memref_slice %arg4[%add3A, %dma_start3A_25] : memref<32x16xf32, #tpu.memory_space<hbm>> -> memref<1x16xf32, #tpu.memory_space<hbm>>
      %dma_start3A_27 = tpu.memref_squeeze %dma_start3A_26 : memref<1x16xf32, #tpu.memory_space<hbm>> -> memref<16xf32, #tpu.memory_space<hbm>>
      tpu.enqueue_dma source(%arg9 : memref<16xf32, #tpu.memory_space<vmem>>) target(%dma_start3A_27 : memref<16xf32, #tpu.memory_space<hbm>>) target_semaphore(%run_scoped3A_21 : memref<!tpu.dma_semaphore, #tpu.memory_space<semaphore_mem>>)
      %dma_wait3A_28 = arith.constant 0 : i32
      %dma_wait3A_29 = tpu.memref_slice %arg4[%add3A, %dma_wait3A_28] : memref<32x16xf32, #tpu.memory_space<hbm>> -> memref<1x16xf32, #tpu.memory_space<hbm>>
      %dma_wait3A_30 = tpu.memref_squeeze %dma_wait3A_29 : memref<1x16xf32, #tpu.memory_space<hbm>> -> memref<16xf32, #tpu.memory_space<hbm>>
      %dma_wait3A_31 = arith.constant 0 : i32
      %dma_wait3A_32 = tpu.memref_slice %arg4[%add3A, %dma_wait3A_31] : memref<32x16xf32, #tpu.memory_space<hbm>> -> memref<1x16xf32, #tpu.memory_space<hbm>>
      %dma_wait3A_33 = tpu.memref_squeeze %dma_wait3A_32 : memref<1x16xf32, #tpu.memory_space<hbm>> -> memref<16xf32, #tpu.memory_space<hbm>>
      tpu.wait_dma2 semaphore(%run_scoped3A_21 : memref<!tpu.dma_semaphore, #tpu.memory_space<semaphore_mem>>) src(%arg9 : memref<16xf32, #tpu.memory_space<vmem>>) dst(%dma_wait3A_33 : memref<16xf32, #tpu.memory_space<hbm>>)
      tpu.yield
    }) : () -> ()
    return
  }
}

</mosaic_0001>

<sc_bundles>
// kernel: kernel.3.cloned.1.call-start
scs
__scs_entry_jumppad:
0x0: {  	(pc) =	sbr.rel $0x88, $3  }
0x1: {  	(tag) =	ssettag $0x0;
	lr =	simm.s32 $0x1  }
0x2: {  	[smem:$0x3F9E] =	sst lr;
	_ =	strace $0xD0000000  }
0x3: {  	_ = 	snop  }
0x4: {  	_ = 	snop  }
0x5: {  	_ = 	snop  }
0x6: {  	_ = 	snop  }
0x7: {  	_ = 	snop  }
__scs_overlays_trampoline_lowered:
0x8: {  	[smem:$0x3FAD] =	sst s0  }
0x9: {  	[smem:$0x3FAE] =	sst s1  }
0xa: {  	[smem:$0x3FAF] =	sst s2  }
0xb: {  	[smem:$0x3FB0] =	sst s3  }
0xc: {  	[smem:$0x3FB1] =	sst s4  }
0xd: {  	[smem:$0x3FB2] =	sst s5  }
0xe: {  	[smem:$0x3FB3] =	sst s6  }
0xf: {  	[smem:$0x3FB4] =	sst s7  }
0x10: {  	[smem:$0x3FB5] =	sst s8  }
0x11: {  	[smem:$0x3FB6] =	sst s9;
	s0 =	simm.s32 @!p0 $0x0  }
0x12: {  	s1 =	sld [smem:$0x3F9C];
	s0 =	simm.s32 @p0 $0x1  }
0x13: {  	[smem:$0x3FB7] =	sst s0;
	s0 =	simm.s32 @!p1 $0x0  }
0x14: {  	s2 =	sld [smem:$0x3F9B];
	s0 =	simm.s32 @p1 $0x1  }
0x15: {  	[smem:$0x3FB8] =	sst s0;
	s0 =	simm.s32 @!p2 $0x0  }
0x16: {  	s3 =	sld [smem:$0x3FDB];
	s0 =	simm.s32 @p2 $0x1  }
0x17: {  	s4 =	simm.s32 $0x1BF5;
	[smem:$0x3FBA] =	sst s0  }
0x18: {  	s0 =	sld [smem:$0x3F9D];
	_ =	swait.ge [sflag:s4], $0x0  }
0x19: {  	s7 =	sld [smem:$0x3F9E]  }
0x1a: {  	s8 =	sadd.s32 $0xFFFFE003, lr  }
0x1b: {  	s9 =	sadd.s32 $0xFFFFFEF7, lr;
	s5 =	simm.s32 $0xFFFFFFFF;
	p2 =	slt.u32 s8, $0xFFFFF086  }
0x1c: {  	p1 =	slt.u32 s9, $0xF7A;
	s5 =	simm.s32 @!p2 $0x0  }
0x1d: {  	s5 =	simm.s32 @p1 $0x1;
	p0 =	seq.s32 s7, s2  }
0x1e: {  	s7 =	smul.u32 @!p0 $0xF7A, s2;
	p2 =	seq.s32 @!p0 s5, $0x0  }
0x1f: {  	s9 =	smul.u32 $0xF7A, s1;
	s8 =	simm.s32 @!p0 $0x1BF5;
	p2 =	por !p2, p0  }
0x20: {  	[sflag:s8] =	ssyncset.s32 @!p0 $0xFFFFF086;
	s6 =	sadd.s32 @!p0 s3, s7;
	s7 =	simm.s32 @!p0 $0x108  }
0x21: {  	s3 =	sadd.s32 s3, s9;
	s6 =	sadd.s32 @!p0 $0x88, s6;
	s7 =	simm.s32 @p2 $0x1082  }
0x22: {  	[simem:s7], [sflag:s8] =	dma.local @!p0 [hbm:s6], $0xF7A  }
0x23: {  	s9 =	sor.u32 $0xD0000000, s2;
	s6 =	simm.s32 $0x108;
	_ =	swait.ge @!p0 [sflag:s8], $0x0  }
0x24: {  	s3 =	sadd.s32 $0x88, s3;
	s6 =	simm.s32 @!p1 $0x1082;
	[sflag:s4] =	ssyncset.s32 $0xFFFFF086  }
0x25: {  	[simem:s6], [sflag:s4] =	dma.local [hbm:s3], $0xF7A  }
0x26: {  	[smem:$0x3F9E] =	sst s1;
	(tag) =	ssettag s2;
	_ =	strace s9  }
0x27: {  	s1 =	sld [smem:$0x3FAE]  }
0x28: {  	s2 =	sld [smem:$0x3FAF]  }
0x29: {  	s4 =	sld [smem:$0x3FB1]  }
0x2a: {  	p0 =	seq.s32 s5, $0x0;
	s5 =	sld [smem:$0x3FB2]  }
0x2b: {  	s6 =	sld [smem:$0x3FB3]  }
0x2c: {  	s7 =	sld [smem:$0x3FB4]  }
0x2d: {  	s3 =	simm.s32 $0x108;
	s8 =	sld [smem:$0x3FB5]  }
0x2e: {  	s3 =	simm.s32 @!p0 $0x1082;
	s9 =	sld [smem:$0x3FB6]  }
0x2f: {  	lr =	sadd.s32 s0, s3;
	s0 =	sld [smem:$0x3FAD]  }
0x30: {  	s3 =	sld [smem:$0x3FB0]  }
0x31: {  	[smem:$0x3FB9] =	sst s10  }
0x32: {  	s10 =	sld [smem:$0x3FB7];
	_ =	sdelay $0x3  }
0x33: {  	p0 =	seq.s32 s10, $0x1;
	s10 =	sld [smem:$0x3FB9];
	_ =	sdelay $0x3  }
0x34: {  	[smem:$0x3FB9] =	sst s10  }
0x35: {  	s10 =	sld [smem:$0x3FB8];
	_ =	sdelay $0x3  }
0x36: {  	p1 =	seq.s32 s10, $0x1;
	s10 =	sld [smem:$0x3FB9];
	_ =	sdelay $0x3  }
0x37: {  	[smem:$0x3FB9] =	sst s10  }
0x38: {  	s10 =	sld [smem:$0x3FBA]  }
0x39: {  	_ = 	snop;
	(pc) =	sbr.ind lr, $3  }
0x3a: {  	_ = 	snop  }
0x3b: {  	_ = 	snop  }
0x3c: {  	p2 =	seq.s32 s10, $0x1;
	s10 =	sld [smem:$0x3FB9]  }
0x3d: {  	_ =	shalt  }
0x3e: {  	_ =	shalt  }
0x3f: {  	_ =	shalt  }
0x40: {  	_ =	shalt  }
0x41: {  	_ =	shalt  }
0x42: {  	_ =	shalt  }
0x43: {  	_ =	shalt  }
0x44: {  	_ =	shalt  }
0x45: {  	_ =	shalt  }
0x46: {  	_ =	shalt  }
0x47: {  	_ =	shalt  }
0x48: {  	_ =	shalt  }
0x49: {  	_ =	shalt  }
0x4a: {  	_ =	shalt  }
0x4b: {  	_ =	shalt  }
0x4c: {  	_ =	shalt  }
0x4d: {  	_ =	shalt  }
0x4e: {  	_ =	shalt  }
0x4f: {  	_ =	shalt  }
0x50: {  	_ =	shalt  }
0x51: {  	_ =	shalt  }
0x52: {  	_ =	shalt  }
0x53: {  	_ =	shalt  }
0x54: {  	_ =	shalt  }
0x55: {  	_ =	shalt  }
0x56: {  	_ =	shalt  }
0x57: {  	_ =	shalt  }
0x58: {  	_ =	shalt  }
0x59: {  	_ =	shalt  }
0x5a: {  	_ =	shalt  }
0x5b: {  	_ =	shalt  }
0x5c: {  	_ =	shalt  }
0x5d: {  	_ =	shalt  }
0x5e: {  	_ =	shalt  }
0x5f: {  	_ =	shalt  }
0x60: {  	_ =	shalt  }
0x61: {  	_ =	shalt  }
0x62: {  	_ =	shalt  }
0x63: {  	_ =	shalt  }
0x64: {  	_ =	shalt  }
0x65: {  	_ =	shalt  }
0x66: {  	_ =	shalt  }
0x67: {  	_ =	shalt  }
0x68: {  	_ =	shalt  }
0x69: {  	_ =	shalt  }
0x6a: {  	_ =	shalt  }
0x6b: {  	_ =	shalt  }
0x6c: {  	_ =	shalt  }
0x6d: {  	_ =	shalt  }
0x6e: {  	_ =	shalt  }
0x6f: {  	_ =	shalt  }
0x70: {  	_ =	shalt  }
0x71: {  	_ =	shalt  }
0x72: {  	_ =	shalt  }
0x73: {  	_ =	shalt  }
0x74: {  	_ =	shalt  }
0x75: {  	_ =	shalt  }
0x76: {  	_ =	shalt  }
0x77: {  	_ =	shalt  }
0x78: {  	_ =	shalt  }
0x79: {  	_ =	shalt  }
0x7a: {  	_ =	shalt  }
0x7b: {  	_ =	shalt  }
0x7c: {  	_ =	shalt  }
0x7d: {  	_ =	shalt  }
0x7e: {  	_ =	shalt  }
0x7f: {  	_ =	shalt  }
0x80: {  	_ =	shalt  }
0x81: {  	_ =	shalt  }
0x82: {  	_ =	shalt  }
0x83: {  	_ =	shalt  }
0x84: {  	_ =	shalt  }
0x85: {  	_ =	shalt  }
0x86: {  	_ =	shalt  }
0x87: {  	_ =	shalt  }
.Lfunc_end0:
.L_simem_size_0:
called_computation_lowered:
.L_overlay_start_0:
0x88: {  	s2 =	sld [smem:$0x3FD9]  }
0x89: {  	s3 =	sld [smem:$0x3FFE];
	_ =	sdelay $0x1  }
0x8a: {  	s1 =	srdreg.scid  }
0x8b: {  	s0 =	sand.u32 $0x1, s1  }
0x8c: {  	s16 =	sshll.u32 s0, $0xA;
	s2 =	sadd.s32 s3, s2  }
0x8d: {  	s2 =	sadd.s32 s2, s16  }
0x8e: {  	[smem:$0x3FC5] =	sst s2  }
0x8f: {  	_ = 	snop  }
0x90: {  	(tm) =	ssettm $0x1  }
0x91: {  	s17 =	sld [smem:$0x3FFB];
	_ =	sdelay $0x3  }
0x92: {  	_ =	strace s17  }
0x93: {  	s2 =	sld [smem:$0x3FFC];
	_ =	sdelay $0x3  }
0x94: {  	_ =	strace s2  }
0x95: {  	s2 =	sld [smem:$0x3FFD];
	_ =	sdelay $0x3  }
0x96: {  	_ =	strace s2  }
0x97: {  	_ =	strace $0x8FFFFFFF  }
0x98: {  	s18 =	sld [smem:$0x3FDB];
	_ =	sdelay $0x1  }
0x99: {  	s19 =	simm.s32 $_scs_section_size  }
0x9a: {  	s4 =	simm.s32 $_size__tile_overlayer_lowered;
	s5 =	simm.s32 $_tile_overlayer_lowered  }
0x9b: {  	s22 =	simm.s32 $0x1BFF;
	s21 =	sshll.u32 s5, $0x1;
	s2 =	sadd.s32 s19, s18  }
0x9c: {  	s6 =	simm.s32 $0x0;
	s20 =	sshll.u32 s4, $0x1;
	s4 =	sadd.s32 s21, s2  }
0x9d: {  	[timem:s6], [sflag:s22] =	dma.local [hbm:s4], s20  }
0x9e: {  	_ =	swait.ge [sflag:s22], s20  }
0x9f: {  	s3 =	ssub.s32 $0x0, s20;
	[sflag:s22] =	ssyncset.done $0x0  }
0xa0: {  	[sflag:s22] =	ssyncadd.s32 s3;
	_ =	sdelay $0x1  }
0xa1: {  	s23 =	simm.s32 $0x1B8B  }
0xa2: {  	_ =	swait.ge [sflag:s23], $0x1  }
0xa3: {  	[sflag:s23] =	ssyncset.done $0x0  }
0xa4: {  	s25 =	simm.s32 $0x1B8E;
	s24 =	sld [smem:$0x3FFE];
	[sflag:s23] =	ssyncadd.s32 $0xFFFFFFFF  }
0xa5: {  	s26 =	simm.s32 $execute0_lowered;
	[smem:$0x3FD2] =	sst s25  }
0xa6: {  	s4 =	sshll.u32 s26, $0x1;
	_ =	strace $0x80000046;
	[dreg:$0x1] =	wrdreg $0xFFFFFFFF  }
0xa7: {  	s28 =	simm.s32 $_size_execute0_lowered;
	s2 =	sadd.s32 s2, s4;
	[dreg:$0x0] =	wrdreg $0x0  }
0xa8: {  	s4 =	sshll.u32 s28, $0x1;
	[dreg:$0x2] =	wrdreg s2  }
0xa9: {  	[dreg:$0x3] =	wrdreg s4  }
0xaa: {  	[dreg:$0x4] =	wrdreg $0xC0  }
0xab: {  	_ =	task [dreg:s6], $0x5FFFF  }
0xac: {  	[dreg:$0x1] =	wrdreg $0xFFFFFFFF  }
0xad: {  	[dreg:$0x0] =	wrdreg $0x60  }
0xae: {  	[dreg:$0x2] =	wrdreg s24  }
0xaf: {  	[dreg:$0x3] =	wrdreg $0x9  }
0xb0: {  	_ =	task.clear_ibuf [dreg:s6], $0x4FFFF;
	_ =	strace $0x90000046  }
0xb1: {  	s29 =	simm.s32 $0x9;
	_ =	strace $0x80000048  }
0xb2: {  	_ =	swait.ge [sflag:s29], $0x1  }
0xb3: {  	[sflag:s29] =	ssyncadd.s32 $0xFFFFFFFF  }
0xb4: {  	_ =	strace $0x90000048  }
0xb5: {  	_ =	sfence  }
0xb6: {  	s30 =	sld [smem:$0x0];
	_ =	sdelay $0x2  }
0xb7: {  	s31 =	sshll.u32 s1, $0xD;
	s1 =	sshrl.u32 s1, $0x2  }
0xb8: {  	s3 =	sand.u32 $0x4000, s31;
	s1 =	sadd.s32 s1, s30  }
0xb9: {  	s0 =	sor.u32 s3, s0;
	s1 =	sshll.u32 s1, $0x11  }
0xba: {  	s0 =	sor.u32 s1, s0  }
0xbb: {  	s0 =	sadd.s32 $0x8F2B, s0  }
0xbc: {  	[sflag:s0] =	ssyncadd.remote.s32 $0x1  }
0xbd: {  	_ =	sfence.sel $0xFFFF  }
0xbe: {  	[dreg:$0x0] =	wrdreg $0xFFFFFFFF;
	(pc) =	sbr.abs _section_cstart, $3  }
0xbf: {  	[dreg:$0x1] =	wrdreg $0xFFFFFFFF  }
0xc0: {  	_ =	task.clear_ibuf [dreg:s6], $0x2FFFF;
	_ =	strace $0x9FFFFFFF  }
0xc1: {  	(tm) =	ssettm $0x7FFFFFFF  }
tec
execute0_lowered:
.L_overlay_start_1:
0x0: {  	(tag) =	ssettag $0x1  }
0x1: {  	s1 =	srdreg.scid  }
0x2: {  	s0 =	stileid.u32;
	s4 =	rddreg [dreg:$0x0]  }
0x3: {  	s2 =	simm.s32 $0x0;
	s9 =	simm.s32 $0x1870;
	s10 =	simm.s32 $0x30E0  }
0x4: {  	s11 =	simm.s32 $0xF460;
	s5 =	sand.u32 $0x1, s1;
	s3 =	sshll.u32 s0, $0x1  }
0x5: {  	s12 =	simm.s32 $0x1;
	s13 =	simm.s32 $0x1B7E0;
	s6 =	sor.u32 s5, s3  }
0x6: {  	s14 =	simm.s32 $0x0;
	[smem:$0x7FF] =	sst s2;
	s7 =	smul.u32 $0x1870, s6  }
0x7: {  	s1 =	rddreg [dreg:$0x1];
	_ =	strace $0x80000047;
	s3 =	sadd.s32 $0xCC00, s4  }
0x8: {  	s5 =	ssub.s32 $0x2, s5;
	s6 =	sshll.u32 s6, $0x1;
	s7 =	sshrl.u32 s7, $0x3  }
0x9: {  	s31 =	sshrl.u32 s5, $0x1;
	s6 =	sadd.s32 s6, s4;
	s7 =	sadd.s32 s7, s4  }
0xa: {  	v0 =	vlaneseq.u32;
	s8 =	ssub.s32 s5, s31;
	s6 =	sadd.s32 $0x2CC00, s6;
	s4 =	sadd.s32 $0x800, s7  }
0xb: {  	v0 =	vmul.u32 $0x8, v0;
	s5 =	sadd.s32 $0x69C0, s7;
	s7 =	smax.u32 s8, $0x1;
	s8 =	simm.s32 $0x2  }
.LBB2_1:
0xc: {  	[tilespmem:s2], [sflag:$0x2] =	stream.linear.gather [hbm4b:s4+s2], $0x1870, $0x38;
	[tilespmem:$0x1B7F0] =	vst v63  }
0xd: {  	_ =	swait.ge [sflag:s8], $0x1870  }
0xe: {  	[sflag:s8] =	ssyncset.done $0x0  }
0xf: {  	[sflag:s8] =	ssyncadd.s32 $0xFFFFE790  }
0x10: {  	[tilespmem:s9], [sflag:$0x2] =	stream.linear.gather [hbm4b:s5+s2], $0x1870, $0x38;
	[tilespmem:$0x1B7F0] =	vst v63  }
0x11: {  	_ =	swait.ge [sflag:s8], $0x1870  }
0x12: {  	[sflag:s8] =	ssyncset.done $0x0  }
0x13: {  	[sflag:s8] =	ssyncadd.s32 $0xFFFFE790  }
0x14: {  	[tilespmem:s10], [sflag:$0x1] =	stream.indirect.gather [hbm4b:s3+s9], $0x8, s2, s9, $0xb8;
	[tilespmem:$0x1B7F0] =	vst v63  }
0x15: {  	_ = 	snop  }
0x16: {  	v1 =	vmov s2;
	[tilespmem:s11], [sflag:$0x1] =	stream.indirect.gather [hbm4b:s3+s9], $0x8, s9, s9, $0xb8;
	[tilespmem:$0x1B7F0] =	vst v63  }
0x17: {  	v1 =	vshll.u32 v1, $0x3;
	_ =	swait.ge [sflag:s12], $0xC380  }
0x18: {  	v1 =	vor.u32 v0, v1;
	[sflag:s12] =	ssyncset.done $0x0  }
0x19: {  	v2 =	vor.u32 $0x4, v1;
	[sflag:s12] =	ssyncadd.s32 $0xFFFF3C80  }
0x1a: {  	v3 =	vor.u32 $0x5, v1;
	_ =	swait.ge [sflag:s12], $0xC380  }
0x1b: {  	[sflag:s12] =	ssyncset.done $0x0  }
0x1c: {  	[sflag:s12] =	ssyncadd.s32 $0xFFFF3C80  }
0x1d: {  	v4 =	vor.u32 $0x6, v1;
	v5 =	vld.idx.msk [tilespmem:v1+s10+$0x0], $0xffff  }
0x1e: {  	v6 =	vld.idx.msk [tilespmem:v2+s11+$0x0], $0xffff  }
0x1f: {  	v7 =	vor.u32 $0x1, v1;
	v8 =	vld.idx.msk [tilespmem:v3+s11+$0x0], $0xffff  }
0x20: {  	s15 =	simm.s32 $0x10;
	v2 =	vld.idx.msk [tilespmem:v2+s10+$0x0], $0xffff  }
0x21: {  	v9 =	vmov s15;
	v3 =	vld.idx.msk [tilespmem:v3+s10+$0x0], $0xffff  }
0x22: {  	v9 =	vshll.u32 v9, $0x3;
	v10 =	vor.u32 $0x2, v1;
	v11 =	vld.idx.msk [tilespmem:v4+s10+$0x0], $0xffff  }
0x23: {  	v9 =	vor.u32 v0, v9;
	v4 =	vld.idx.msk [tilespmem:v4+s11+$0x0], $0xffff  }
0x24: {  	v14 =	vor.u32 $0x6, v9;
	v12 =	vld.idx.msk [tilespmem:v7+s11+$0x0], $0xffff  }
0x25: {  	v13 =	vor.u32 $0x1, v9;
	v7 =	vld.idx.msk [tilespmem:v7+s10+$0x0], $0xffff  }
0x26: {  	v1 =	vld.idx.msk [tilespmem:v1+s11+$0x0], $0xffff;
	v2 =	vsub.f32 v2, v6;
	v6 =	vor.u32 $0x4, v9  }
0x27: {  	v15 =	vld.idx.msk [tilespmem:v10+s11+$0x0], $0xffff;
	v3 =	vsub.f32 v3, v8;
	v8 =	vor.u32 $0x5, v9  }
0x28: {  	v10 =	vld.idx.msk [tilespmem:v10+s10+$0x0], $0xffff  }
0x29: {  	v16 =	vld.idx.msk [tilespmem:v14+s10+$0x0], $0xffff;
	v4 =	vsub.f32 v11, v4;
	v2 =	vmul.f32 v2, v2;
	v3 =	vmul.f32 v3, v3  }
0x2a: {  	v11 =	vld.idx.msk [tilespmem:v13+s11+$0x0], $0xffff  }
0x2b: {  	v1 =	vsub.f32 v5, v1;
	v2 =	vadd.f32 v3, v2;
	v3 =	vmul.f32 v4, v4;
	v5 =	vld.idx.msk [tilespmem:v6+s11+$0x0], $0xffff  }
0x2c: {  	v4 =	vsub.f32 v7, v12;
	v7 =	vld.idx.msk [tilespmem:v8+s11+$0x0], $0xffff  }
0x2d: {  	v6 =	vld.idx.msk [tilespmem:v6+s10+$0x0], $0xffff;
	v2 =	vadd.f32 v3, v2  }
0x2e: {  	v1 =	vmul.f32 v1, v1;
	v8 =	vld.idx.msk [tilespmem:v8+s10+$0x0], $0xffff;
	v3 =	vmul.f32 v4, v4  }
0x2f: {  	s30 =	simm.s32 $0x20;
	v4 =	vld.idx.msk [tilespmem:v14+s11+$0x0], $0xffff;
	v17 =	vadd.f32 $9.999999930e-09, v2  }
0x30: {  	v14 =	vmov s30;
	v3 =	vadd.f32 v3, v1;
	v1 =	vsub.f32 v10, v15;
	v10 =	vld.idx.msk [tilespmem:v13+s10+$0x0], $0xffff  }
0x31: {  	v14 =	vshll.u32 v14, $0x3;
	v15 =	vld.idx.msk [tilespmem:v9+s10+$0x0], $0xffff  }
0x32: {  	v2 =	vor.u32 $0x2, v9;
	v9 =	vld.idx.msk [tilespmem:v9+s11+$0x0], $0xffff;
	v14 =	vor.u32 v0, v14;
	v12 =	vshrl.u32 v17, $0x1  }
0x33: {  	v13 =	vmul.f32 $5.000000000e-01, v17;
	v18 =	vmul.f32 v1, v1;
	v5 =	vsub.f32 v6, v5  }
0x34: {  	v6 =	vor.u32 $0x6, v14;
	v7 =	vsub.f32 v8, v7;
	v12 =	vsub.s32 $0x5F3759DF, v12  }
0x35: {  	v4 =	vsub.f32 v16, v4;
	v16 =	vor.u32 $0x5, v14;
	v19 =	vmul.f32 v12, v13  }
0x36: {  	v3 =	vadd.f32 v18, v3;
	v18 =	vor.u32 $0x4, v14;
	v5 =	vmul.f32 v5, v5  }
0x37: {  	v7 =	vmul.f32 v7, v7;
	v10 =	vsub.f32 v10, v11;
	v11 =	vld.idx.msk [tilespmem:v2+s11+$0x0], $0xffff;
	v9 =	vsub.f32 v15, v9  }
0x38: {  	v2 =	vld.idx.msk [tilespmem:v2+s10+$0x0], $0xffff;
	v8 =	vmul.f32 v12, v19  }
0x39: {  	v5 =	vadd.f32 v7, v5;
	v15 =	vld.idx.msk [tilespmem:v6+s10+$0x0], $0xffff;
	v7 =	vmul.f32 v10, v10;
	v9 =	vmul.f32 v9, v9  }
0x3a: {  	v4 =	vmul.f32 v4, v4;
	v19 =	vor.u32 $0x1, v14;
	v6 =	vld.idx.msk [tilespmem:v6+s11+$0x0], $0xffff;
	v8 =	vsub.f32 $1.500000000e+00, v8  }
0x3b: {  	v3 =	vadd.f32 $9.999999930e-09, v3;
	v7 =	vadd.f32 v7, v9;
	v9 =	vld.idx.msk [tilespmem:v16+s10+$0x0], $0xffff  }
0x3c: {  	v4 =	vadd.f32 v4, v5;
	v21 =	vmul.f32 v12, v8;
	v8 =	vld.idx.msk [tilespmem:v18+s11+$0x0], $0xffff  }
0x3d: {  	v22 =	vor.u32 $0x2, v14;
	v10 =	vshrl.u32 v3, $0x1;
	v20 =	vmul.f32 $5.000000000e-01, v3;
	v12 =	vld.idx.msk [tilespmem:v16+s11+$0x0], $0xffff  }
0x3e: {  	v5 =	vsub.s32 $0x5F3759DF, v10;
	v11 =	vsub.f32 v2, v11;
	v18 =	vld.idx.msk [tilespmem:v18+s10+$0x0], $0xffff;
	v2 =	vadd.f32 $9.999999930e-09, v4  }
0x3f: {  	v1 =	vimm.f32 $0.0e+00;
	v16 =	vld.idx.msk [tilespmem:v19+s11+$0x0], $0xffff;
	v10 =	vmul.f32 v21, v13;
	v13 =	vmul.f32 v5, v20  }
0x40: {  	v19 =	vld.idx.msk [tilespmem:v19+s10+$0x0], $0xffff;
	v11 =	vmul.f32 v11, v11;
	v23 =	vshrl.u32 v2, $0x1;
	v4 =	vmul.f32 $5.000000000e-01, v2  }
0x41: {  	s31 =	simm.s32 $0x30;
	v26 =	vsub.f32 v15, v6;
	v25 =	vsub.s32 $0x5F3759DF, v23;
	v13 =	vmul.f32 v5, v13  }
0x42: {  	v6 =	vld.idx.msk [tilespmem:v14+s11+$0x0], $0xffff;
	v23 =	vmov s31;
	v10 =	vmul.f32 v10, v21;
	v24 =	vadd.f32 v11, v7  }
0x43: {  	v11 =	vld.idx.msk [tilespmem:v14+s10+$0x0], $0xffff;
	v14 =	vshll.u32 v23, $0x3;
	v26 =	vmul.f32 v26, v26;
	v7 =	vsub.f32 $1.500000000e+00, v13  }
0x44: {  	v23 =	vsub.f32 v18, v8;
	v10 =	vsub.f32 $1.500000000e+00, v10;
	v13 =	vmul.f32 v25, v4  }
0x45: {  	v16 =	vsub.f32 v19, v16;
	v27 =	vmul.f32 v5, v7;
	v7 =	vor.u32 v0, v14  }
0x46: {  	v19 =	vmul.f32 v23, v23;
	v5 =	vsub.f32 v9, v12;
	v12 =	vor.u32 $0x1, v7  }
0x47: {  	v23 =	vld.idx.msk [tilespmem:v22+s10+$0x0], $0xffff;
	v9 =	vmul.f32 v25, v13;
	v18 =	vor.u32 $0x6, v7;
	v13 =	vmul.f32 v27, v20  }
0x48: {  	v15 =	vor.u32 $0x4, v7;
	v28 =	vsub.f32 v11, v6;
	v20 =	vld.idx.msk [tilespmem:v22+s11+$0x0], $0xffff;
	v22 =	vmul.f32 v5, v5  }
0x49: {  	v14 =	vor.u32 $0x5, v7;
	v5 =	vmul.f32 v10, v21;
	v13 =	vmul.f32 v13, v27  }
0x4a: {  	v10 =	vmul.f32 v16, v16;
	v21 =	vsub.f32 $1.500000000e+00, v9;
	v28 =	vmul.f32 v28, v28;
	v6 =	vld.idx.msk [tilespmem:v7+s10+$0x0], $0xffff  }
0x4b: {  	v8 =	vor.u32 $0x2, v7;
	v9 =	vadd.f32 $9.999999930e-09, v24;
	v13 =	vsub.f32 $1.500000000e+00, v13;
	v11 =	vld.idx.msk [tilespmem:v12+s11+$0x0], $0xffff  }
0x4c: {  	v5 =	vmul.f32 v5, v17;
	v17 =	vadd.f32 v22, v19;
	v24 =	vadd.f32 v10, v28;
	v16 =	vld.idx.msk [tilespmem:v18+s10+$0x0], $0xffff  }
0x4d: {  	v10 =	vmul.f32 v25, v21;
	v19 =	vld.idx.msk [tilespmem:v15+s11+$0x0], $0xffff;
	v22 =	vmul.f32 v13, v27;
	v13 =	vshrl.u32 v9, $0x1  }
0x4e: {  	s15 =	simm.s32 $0x40;
	v21 =	vld.idx.msk [tilespmem:v14+s11+$0x0], $0xffff;
	v25 =	vadd.f32 v26, v17;
	v17 =	vsub.s32 $0x5F3759DF, v13;
	v13 =	vmul.f32 $5.000000000e-01, v9  }
.LBB2_2:
0x4f: {  	p0 =	sne.s32 s15, $0x1860;
	v18 =	vld.idx.msk [tilespmem:v18+s11+$0x0], $0xffff;
	v20 =	vsub.f32 v23, v20;
	v4 =	vmul.f32 v10, v4;
	v22 =	vmul.f32 v22, v3;
	s16 =	smov.u32 s15;
	s15 =	sadd.s32 $0x10, s15  }
0x50: {  	v3 =	vmov v9;
	v15 =	vld.idx.msk [tilespmem:v15+s10+$0x0], $0xffff;
	v25 =	vadd.f32 $9.999999930e-09, v25;
	v23 =	vmul.f32 v17, v13  }
0x51: {  	v9 =	vld.idx.msk [tilespmem:v14+s10+$0x0], $0xffff;
	v14 =	vmul.f32 v20, v20;
	v20 =	vmul.f32 v4, v10;
	v5 =	vsub.f32 v22, v5  }
0x52: {  	v22 =	vld.idx.msk [tilespmem:v12+s10+$0x0], $0xffff;
	v12 =	vshrl.u32 v25, $0x1;
	v4 =	vmul.f32 $5.000000000e-01, v25;
	v23 =	vmul.f32 v17, v23  }
0x53: {  	v26 =	vsub.s32 $0x5F3759DF, v12;
	v27 =	vsub.f32 $1.500000000e+00, v20;
	v5 =	vmul.f32 v5, v5  }
0x54: {  	v24 =	vadd.f32 v14, v24;
	v12 =	vmul.f32 v26, v4;
	v14 =	vsub.f32 $1.500000000e+00, v23  }
0x55: {  	v20 =	vmov s16;
	v28 =	vsub.f32 v16, v18;
	v23 =	vld.idx.msk [tilespmem:v7+s11+$0x0], $0xffff;
	v1 =	vadd.f32 v5, v1  }
0x56: {  	v5 =	vshll.u32 v20, $0x3;
	v16 =	vsub.f32 v15, v19;
	v17 =	vmul.f32 v17, v14  }
0x57: {  	v7 =	vor.u32 v0, v5;
	v5 =	vsub.f32 v9, v21;
	v9 =	vmul.f32 v26, v12  }
0x58: {  	v12 =	vor.u32 $0x1, v7;
	v15 =	vor.u32 $0x4, v7;
	v13 =	vmul.f32 v17, v13  }
0x59: {  	v14 =	vor.u32 $0x5, v7;
	v18 =	vor.u32 $0x6, v7;
	v11 =	vsub.f32 v22, v11  }
0x5a: {  	v19 =	vor.u32 $0x2, v7;
	v21 =	vmul.f32 v16, v16;
	v20 =	vld.idx.msk [tilespmem:v8+s11+$0x0], $0xffff;
	v13 =	vmul.f32 v13, v17  }
0x5b: {  	v22 =	vmul.f32 v5, v5;
	v5 =	vmul.f32 v27, v10;
	v16 =	vsub.f32 v6, v23;
	v23 =	vld.idx.msk [tilespmem:v8+s10+$0x0], $0xffff  }
.Ltmp0:
0x5c: {  	v27 =	vsub.f32 $1.500000000e+00, v9;
	v10 =	vmul.f32 v11, v11;
	v8 =	vmovc v19;
	v6 =	vld.idx.msk [tilespmem:v7+s10+$0x0], $0xffff;
	v13 =	vsub.f32 $1.500000000e+00, v13;
	(pc) =	sbr.rel @p0 .LBB2_2-.Ltmp0, $4  }
0x5d: {  	v9 =	vadd.f32 $9.999999930e-09, v24;
	v5 =	vmul.f32 v5, v2;
	v2 =	vmovc v25;
	v29 =	vmul.f32 v16, v16;
	v11 =	vld.idx.msk [tilespmem:v12+s11+$0x0], $0xffff  }
0x5e: {  	v28 =	vmul.f32 v28, v28;
	v25 =	vadd.f32 v22, v21;
	v16 =	vld.idx.msk [tilespmem:v18+s10+$0x0], $0xffff;
	v22 =	vmul.f32 v13, v17  }
0x5f: {  	v24 =	vadd.f32 v10, v29;
	v13 =	vshrl.u32 v9, $0x1;
	v10 =	vmul.f32 v26, v27;
	v19 =	vld.idx.msk [tilespmem:v15+s11+$0x0], $0xffff  }
0x60: {  	v25 =	vadd.f32 v28, v25;
	v17 =	vsub.s32 $0x5F3759DF, v13;
	v13 =	vmul.f32 $5.000000000e-01, v9;
	v21 =	vld.idx.msk [tilespmem:v14+s11+$0x0], $0xffff  }
0x61: {  	_ =	sdelay $0x3  }
0x62: {  	v18 =	vld.idx.msk [tilespmem:v18+s11+$0x0], $0xffff  }
0x63: {  	v15 =	vld.idx.msk [tilespmem:v15+s10+$0x0], $0xffff  }
0x64: {  	v20 =	vsub.f32 v23, v20;
	v14 =	vld.idx.msk [tilespmem:v14+s10+$0x0], $0xffff  }
0x65: {  	v4 =	vmul.f32 v10, v4;
	v12 =	vld.idx.msk [tilespmem:v12+s10+$0x0], $0xffff  }
0x66: {  	v7 =	vld.idx.msk [tilespmem:v7+s11+$0x0], $0xffff;
	v63 =	vmul.f32 v17, v13;
	v20 =	vmul.f32 v20, v20  }
0x67: {  	v26 =	vld.idx.msk [tilespmem:v8+s11+$0x0], $0xffff;
	v4 =	vmul.f32 v4, v10  }
0x68: {  	v27 =	vld.idx.msk [tilespmem:v8+s10+$0x0], $0xffff;
	v25 =	vadd.f32 $9.999999930e-09, v25;
	v23 =	vmul.f32 v17, v63;
	v20 =	vadd.f32 v20, v24  }
0x69: {  	v3 =	vmul.f32 v22, v3;
	v4 =	vsub.f32 $1.500000000e+00, v4;
	v15 =	vsub.f32 v15, v19  }
0x6a: {  	v28 =	vshrl.u32 v25, $0x1;
	v14 =	vsub.f32 v14, v21;
	v23 =	vsub.f32 $1.500000000e+00, v23  }
0x6b: {  	v29 =	vmul.f32 $5.000000000e-01, v25;
	v11 =	vsub.f32 v12, v11;
	v6 =	vsub.f32 v6, v7  }
0x6c: {  	v30 =	vsub.f32 v16, v18;
	v31 =	vmul.f32 v15, v15;
	v14 =	vmul.f32 v14, v14  }
0x6d: {  	v8 =	vsub.f32 v27, v26;
	v11 =	vmul.f32 v11, v11;
	v6 =	vmul.f32 v6, v6  }
0x6e: {  	v19 =	vsub.s32 $0x5F3759DF, v28;
	v7 =	vmul.f32 v30, v30;
	v12 =	vadd.f32 v14, v31  }
0x6f: {  	v34 =	vadd.f32 $9.999999930e-09, v20;
	v8 =	vmul.f32 v8, v8;
	v6 =	vadd.f32 v11, v6  }
0x70: {  	v32 =	vmul.f32 v19, v29;
	v33 =	vmul.f32 v17, v23;
	v7 =	vadd.f32 v7, v12  }
0x71: {  	v4 =	vmul.f32 v4, v10;
	v37 =	vshrl.u32 v34, $0x1;
	v6 =	vadd.f32 v8, v6  }
0x72: {  	v38 =	vmul.f32 $5.000000000e-01, v34;
	v36 =	vmul.f32 v33, v13;
	v7 =	vadd.f32 $9.999999930e-09, v7  }
0x73: {  	v35 =	vmul.f32 v19, v32;
	v8 =	vsub.s32 $0x5F3759DF, v37;
	v6 =	vadd.f32 $9.999999930e-09, v6  }
0x74: {  	v13 =	vmul.f32 v36, v33;
	v39 =	vmul.f32 v8, v38;
	v40 =	vshrl.u32 v7, $0x1  }
0x75: {  	v41 =	vmul.f32 $5.000000000e-01, v7;
	v42 =	vshrl.u32 v6, $0x1;
	v43 =	vmul.f32 $5.000000000e-01, v6  }
0x76: {  	v10 =	vmul.f32 v8, v39;
	v16 =	vsub.s32 $0x5F3759DF, v40;
	v18 =	vsub.s32 $0x5F3759DF, v42  }
0x77: {  	v44 =	vmul.f32 v16, v41;
	v45 =	vmul.f32 v18, v43  }
0x78: {  	v2 =	vmul.f32 v4, v2;
	v12 =	vsub.f32 $1.500000000e+00, v35;
	v46 =	vsub.f32 $1.500000000e+00, v10  }
0x79: {  	v47 =	vsub.f32 $1.500000000e+00, v13;
	v48 =	vmul.f32 v16, v44;
	v49 =	vmul.f32 v18, v45  }
0x7a: {  	v12 =	vmul.f32 v19, v12;
	v4 =	vmul.f32 v8, v46  }
0x7b: {  	v50 =	vmul.f32 v47, v33;
	v51 =	vsub.f32 $1.500000000e+00, v48;
	v52 =	vsub.f32 $1.500000000e+00, v49  }
0x7c: {  	v53 =	vmul.f32 v12, v29;
	v15 =	vmul.f32 v4, v38  }
0x7d: {  	v10 =	vmul.f32 v16, v51;
	v13 =	vmul.f32 v18, v52  }
0x7e: {  	v14 =	vmul.f32 v53, v12;
	v15 =	vmul.f32 v15, v4  }
0x7f: {  	v16 =	vmul.f32 v10, v41;
	v54 =	vmul.f32 v13, v43  }
0x80: {  	v8 =	vmul.f32 v50, v9;
	v55 =	vsub.f32 $1.500000000e+00, v14;
	v56 =	vsub.f32 $1.500000000e+00, v15  }
0x81: {  	v3 =	vsub.f32 v3, v5;
	v57 =	vmul.f32 v16, v10;
	v58 =	vmul.f32 v54, v13  }
0x82: {  	v9 =	vmul.f32 v55, v12;
	v4 =	vmul.f32 v56, v4  }
0x83: {  	v3 =	vmul.f32 v3, v3;
	v5 =	vsub.f32 $1.500000000e+00, v57;
	v59 =	vsub.f32 $1.500000000e+00, v58  }
0x84: {  	v2 =	vsub.f32 v8, v2;
	v60 =	vmul.f32 v9, v25;
	v4 =	vmul.f32 v4, v34  }
0x85: {  	v5 =	vmul.f32 v5, v10;
	v61 =	vmul.f32 v59, v13  }
0x86: {  	v1 =	vadd.f32 v3, v1;
	v2 =	vmul.f32 v2, v2  }
0x87: {  	v3 =	vsub.f32 v4, v60;
	v62 =	vmul.f32 v5, v7;
	v63 =	vmul.f32 v61, v6;
	_ =	sdelay $0x1  }
0x88: {  	v1 =	vadd.f32 v2, v1;
	v2 =	vmul.f32 v3, v3;
	v3 =	vsub.f32 v63, v62;
	_ =	sdelay $0x1  }
0x89: {  	v1 =	vadd.f32 v2, v1;
	v2 =	vmul.f32 v3, v3;
	_ =	sdelay $0x1  }
0x8a: {  	s14 =	sadd.s32 $0x1, s14;
	v1 =	vadd.f32 v2, v1  }
0x8b: {  	p0 =	sne.s32 s14, s7  }
.Ltmp1:
0x8c: {  	[tilespmem:$0x1B7E0] =	vst v1;
	(pc) =	sbr.rel @p0 .LBB2_1-.Ltmp1, $4  }
0x8d: {  	[hbm4b:s6+s2] =	stream.linear.scatter [tilespmem:s13], [sflag:$0x2], $0x10, $0x38;
	[tilespmem:$0x1B7F0] =	vst v63  }
0x8e: {  	_ =	swait.ge [sflag:s8], $0x10  }
0x8f: {  	[sflag:s8] =	ssyncset.done $0x0  }
0x90: {  	[sflag:s8] =	ssyncadd.s32 $0xFFFFFFF0  }
0x91: {  	_ =	sfence.sel $0x180000  }
0x92: {  	[bflag:$0x0] =	sbarrier.arrive $0xFFFF  }
0x93: {  	p0 =	sne.s32 s0, $0x0;
	_ =	strace $0x90000047  }
0x94: {  	s0 =	sadd.s32 @!p0 $0x100000, s1;
	[bflag:$0x2] =	sbarrier.arrive $0xFFFF  }
0x95: {  	[sflag:s0] =	ssyncadd.tile.s32 @!p0 $0x1;
	_ =	shalt  }
.Lfunc_end2:
_tile_overlayer_lowered:
.L_overlay_start_2:
0x96: {  	(tag) =	ssettag $0x2  }
0x97: {  	s0 =	rddreg [dreg:$0x0];
	s2 =	stileid.u32  }
0x98: {  	s1 =	rddreg [dreg:$0x1];
	p0 =	sne.s32 s2, $0x0  }
0x99: {  	s3 =	rddreg [dreg:$0x2];
	[bflag:$0x3] =	sbarrier.arrive $0xFFFF;
	s2 =	simm.s32 @!p0 $0x1C02  }
0x9a: {  	[timem:s3], [sflag:s2] =	dma.local @!p0 [hbm:s0], s1  }
0x9b: {  	s0 =	simm.s32 @!p0 $0x2  }
0x9c: {  	_ =	swait.ge @!p0 [sflag:s0], s1  }
0x9d: {  	s1 =	ssub.s32 @!p0 $0x0, s1;
	[sflag:s0] =	ssyncset.done @!p0 $0x0  }
0x9e: {  	[sflag:s0] =	ssyncadd.s32 @!p0 s1  }
0x9f: {  	[bflag:$0x3] =	sbarrier.arrive $0xFFFF  }
0xa0: {  	_ =	shalt  }

</sc_bundles>
